<compile_context>
chip_gen: v7x
topology: tpu7x:2x2x1
jax: 0.10.2.dev20260603
libtpu: 0.0.44.dev20260713+nightly
codegen_flags: <defaults>
</compile_context>

<pallas_src>
import functools

import jax
import jax.numpy as jnp
from jax.experimental import pallas as pl

B = 1024
L = 50
D = 64
MP = 9
NA = 16
C = 7

EV_BLK = 3200
B_BLK = EV_BLK // L


def _prep_kernel(card_tab_ref, src_tab_ref, hero_tab_ref, actpos_tab_ref,
                 np_tab_ref, Ws_ref, bs_ref, Wb_ref, bb_ref, Wa_ref, ba_ref,
                 Wc_ref, bc_ref, gamma_ref, beta_ref,
                 card_proj_ref, wctx_ref, bias_ref, beta_flat_ref, g7_ref,
                 bd_ref):
    Wc = Wc_ref[...]
    wc_card = Wc[0:D, :]
    wc_hero = Wc[D:2 * D, :]
    wc_act = Wc[2 * D:3 * D, :]
    wc_np = Wc[3 * D:4 * D, :]
    wc_s = Wc[4 * D:5 * D, :]
    wc_b = Wc[5 * D:6 * D, :]
    wc_a = Wc[6 * D:7 * D, :]
    f32 = jnp.float32
    dot = functools.partial(jnp.dot, preferred_element_type=f32,
                            precision=jax.lax.Precision.HIGHEST)
    card_proj = dot(card_tab_ref[...], wc_card)
    card_proj_ref[...] = card_proj - jnp.mean(card_proj, axis=1, keepdims=True)
    wctx = jnp.concatenate([
        dot(Ws_ref[...], wc_s),
        dot(Wb_ref[...], wc_b),
        dot(Wa_ref[...], wc_a),
        dot(hero_tab_ref[...], wc_hero),
        dot(actpos_tab_ref[...], wc_act),
        dot(np_tab_ref[...], wc_np),
    ], axis=0)
    wctx_ref[...] = wctx - jnp.mean(wctx, axis=1, keepdims=True)
    bias = (bc_ref[...] + dot(bs_ref[...], wc_s)
            + dot(bb_ref[...], wc_b) + dot(ba_ref[...], wc_a))
    bias_ref[...] = bias - jnp.mean(bias, axis=1, keepdims=True)
    src = src_tab_ref[...]
    beta7 = beta_ref[...] + jnp.concatenate(
        [jnp.broadcast_to(src[0:1, :], (5, D)),
         jnp.broadcast_to(src[1:2, :], (2, D))], axis=0)
    beta_flat_ref[...] = jnp.concatenate(
        [beta7[c:c + 1, :] for c in range(C)], axis=1)
    z = jnp.zeros((1, D), f32)
    g_rows = []
    for c in range(C):
        g_rows.append(jnp.concatenate(
            [z] * c + [gamma_ref[...]] + [z] * (C - 1 - c), axis=1))
    g7_ref[...] = jnp.concatenate(g_rows, axis=0)
    bd_ref[...] = (jax.lax.broadcasted_iota(jnp.int32, (C * D, C), 0) // D
                   == jax.lax.broadcasted_iota(jnp.int32, (C * D, C), 1)
                   ).astype(f32)


_COL_DENSE_END = 2 + MP + NA
_COL_CARDS = _COL_DENSE_END
_COL_HERO = _COL_CARDS + C
_COL_ACT = _COL_HERO + 1
_COL_NPL = _COL_ACT + 1
_COL_SEQ = _COL_NPL + 1
_N_COLS = _COL_SEQ + 1


def _main_kernel(packed_ref, seq_ref, card_proj_ref, wctx_ref, bias_ref,
                 beta_flat_ref, g7_ref, bd_ref, out_ref, mask_ref):
    f32 = jnp.float32
    N = EV_BLK
    dot = functools.partial(jnp.dot, preferred_element_type=f32)
    p = packed_ref[...]
    iohf = jax.lax.broadcasted_iota(jnp.int32, (N, MP), 1).astype(f32)
    ionf = jax.lax.broadcasted_iota(jnp.int32, (N, MP + 1), 1).astype(f32)
    feats = jnp.concatenate([
        p[:, 0:_COL_DENSE_END],
        (p[:, _COL_HERO:_COL_HERO + 1] == iohf).astype(f32),
        (p[:, _COL_ACT:_COL_ACT + 1] == iohf).astype(f32),
        (p[:, _COL_NPL:_COL_NPL + 1] == ionf).astype(f32),
    ], axis=1)
    ctx = dot(feats, wctx_ref[...]) + bias_ref[...]
    lpos = jnp.remainder(
        jax.lax.broadcasted_iota(jnp.int32, (N, 1), 0), L).astype(f32)
    m = (lpos < p[:, _COL_SEQ:_COL_SEQ + 1]).astype(f32)
    iocf = jax.lax.broadcasted_iota(jnp.int32, (N, 53), 1).astype(f32)
    card_proj = card_proj_ref[...]
    xc_all = jnp.concatenate([
        dot((p[:, _COL_CARDS + c:_COL_CARDS + c + 1] == iocf).astype(f32),
            card_proj) + ctx
        for c in range(C)
    ], axis=1)
    s7 = dot(xc_all * xc_all, bd_ref[...])
    rm7 = jax.lax.rsqrt(s7 * (1.0 / D) + 1e-5)
    rm7 = rm7 * dot(m, jnp.ones((1, C), f32))
    a_all = dot(rm7, g7_ref[...])
    b_all = dot(m, beta_flat_ref[...])
    out_ref[...] = xc_all * a_all + b_all
    i350 = jax.lax.broadcasted_iota(jnp.int32, (B_BLK, L * C), 1)
    mask_ref[...] = (i350 // C < seq_ref[...]).astype(f32)


def kernel(card_ids, hero_pos, acting_pos, num_players, scalars, bets, action,
           seq_lengths, card_tab, src_tab, hero_tab, actpos_tab, np_tab,
           Ws, bs, Wb, bb, Wa, ba, Wc, bc, gamma, beta):
    f32 = jnp.float32
    i32 = jnp.int32
    card_proj, wctx, bias, beta_flat, g7, bd = pl.pallas_call(
        _prep_kernel,
        out_shape=(
            jax.ShapeDtypeStruct((53, D), f32),
            jax.ShapeDtypeStruct((55, D), f32),
            jax.ShapeDtypeStruct((1, D), f32),
            jax.ShapeDtypeStruct((1, C * D), f32),
            jax.ShapeDtypeStruct((C, C * D), f32),
            jax.ShapeDtypeStruct((C * D, C), f32),
        ),
    )(card_tab, src_tab, hero_tab, actpos_tab, np_tab,
      Ws, bs.reshape(1, D), Wb, bb.reshape(1, D), Wa, ba.reshape(1, D),
      Wc, bc.reshape(1, D), gamma.reshape(1, D), beta.reshape(1, D))

    BL = B * L
    seqf = jnp.broadcast_to(
        seq_lengths.astype(f32).reshape(B, 1, 1), (B, L, 1))
    packed = jnp.concatenate([
        scalars, bets, action,
        card_ids.astype(f32),
        hero_pos.astype(f32)[:, :, None],
        acting_pos.astype(f32)[:, :, None],
        num_players.astype(f32)[:, :, None],
        seqf,
    ], axis=2).reshape(BL, _N_COLS)

    grid = (BL // EV_BLK,)
    const2 = lambda shape: pl.BlockSpec(shape, lambda i: (0, 0))
    emb, mask = pl.pallas_call(
        _main_kernel,
        grid=grid,
        in_specs=[
            pl.BlockSpec((EV_BLK, _N_COLS), lambda i: (i, 0)),
            pl.BlockSpec((B_BLK, 1), lambda i: (i, 0)),
            const2((53, D)), const2((55, D)), const2((1, D)),
            const2((1, C * D)), const2((C, C * D)), const2((C * D, C)),
        ],
        out_specs=(
            pl.BlockSpec((EV_BLK, C * D), lambda i: (i, 0)),
            pl.BlockSpec((B_BLK, L * C), lambda i: (i, 0)),
        ),
        out_shape=(
            jax.ShapeDtypeStruct((BL, C * D), f32),
            jax.ShapeDtypeStruct((B, L * C), f32),
        ),
    )(packed, seq_lengths.astype(i32).reshape(B, 1),
      card_proj, wctx, bias, beta_flat, g7, bd)
    return emb.reshape(B, L * C, D), mask

# --- scband reference (transcript-rebuilt; emitter-appended) ---
"""Pipeline reference for scband-event-sequence-embedder-14843406975105 (READ-ONLY COPY).

The authoritative reference and input builder live on the scoring server;
editing this copy changes nothing except your own understanding.
"""

import jax, jax.numpy as jnp
import numpy as np

B = 1024
L = 50
D = 64
MP = 9
NA = 16
C = 7


def setup_inputs(seed: int = 0) -> dict:
    key = jax.random.key(seed)
    ks = jax.random.split(key, 24)
    s = 0.02
    inp = {}
    # forward args (tensorized batch of event dicts)
    inp["card_ids"] = jax.random.randint(ks[0], (B, L, C), 0, 53)
    inp["hero_pos"] = jax.random.randint(ks[1], (B, L), 0, MP)
    inp["acting_pos"] = jax.random.randint(ks[2], (B, L), 0, MP)
    inp["num_players"] = jax.random.randint(ks[3], (B, L), 0, MP + 1)
    inp["scalars"] = jax.random.uniform(ks[4], (B, L, 2), dtype=jnp.float32)
    inp["bets"] = jax.random.uniform(ks[5], (B, L, MP), dtype=jnp.float32)
    inp["action"] = jax.random.normal(ks[6], (B, L, NA), dtype=jnp.float32)
    inp["seq_lengths"] = jax.random.randint(ks[7], (B,), 0, L + 1)
    # learned parameters
    inp["card_tab"] = jax.random.normal(ks[8], (53, D), dtype=jnp.float32) * s
    inp["src_tab"] = jax.random.normal(ks[9], (2, D), dtype=jnp.float32) * s
    inp["hero_tab"] = jax.random.normal(ks[10], (MP, D), dtype=jnp.float32) * s
    inp["actpos_tab"] = jax.random.normal(ks[11], (MP, D), dtype=jnp.float32) * s
    inp["np_tab"] = jax.random.normal(ks[12], (MP + 1, D), dtype=jnp.float32) * s
    inp["Ws"] = jax.random.normal(ks[13], (2, D), dtype=jnp.float32) * s
    inp["bs"] = jnp.zeros((D,), dtype=jnp.float32)
    inp["Wb"] = jax.random.normal(ks[14], (MP, D), dtype=jnp.float32) * s
    inp["bb"] = jnp.zeros((D,), dtype=jnp.float32)
    inp["Wa"] = jax.random.normal(ks[15], (NA, D), dtype=jnp.float32) * s
    inp["ba"] = jnp.zeros((D,), dtype=jnp.float32)
    inp["Wc"] = jax.random.normal(ks[16], (C * D, D), dtype=jnp.float32) * s
    inp["bc"] = jnp.zeros((D,), dtype=jnp.float32)
    inp["gamma"] = jnp.ones((D,), dtype=jnp.float32)
    inp["beta"] = jnp.zeros((D,), dtype=jnp.float32)
    return inp


def _layernorm(x, gamma, beta, eps=1e-5):
    mu = jnp.mean(x, axis=-1, keepdims=True)
    var = jnp.mean((x - mu) ** 2, axis=-1, keepdims=True)
    xhat = (x - mu) / jnp.sqrt(var + eps)
    return xhat * gamma + beta


def reference(card_ids, hero_pos, acting_pos, num_players, scalars, bets, action,
              seq_lengths, card_tab, src_tab, hero_tab, actpos_tab, np_tab,
              Ws, bs, Wb, bb, Wa, ba, Wc, bc, gamma, beta):
    # per-card embedding gathers (SparseCore-friendly)
    card_embs = jnp.take(card_tab, card_ids, axis=0)            # [B,L,7,D]
    source_ids = jnp.array([0, 0, 0, 0, 0, 1, 1], dtype=jnp.int32)
    source_embs = jnp.take(src_tab, source_ids, axis=0)         # [7,D]
    hero_emb = jnp.take(hero_tab, hero_pos, axis=0)             # [B,L,D]
    acting_emb = jnp.take(actpos_tab, acting_pos, axis=0)       # [B,L,D]
    npl_emb = jnp.take(np_tab, num_players, axis=0)             # [B,L,D]
    scalar_emb = scalars @ Ws + bs                              # [B,L,D]
    bet_emb = bets @ Wb + bb                                    # [B,L,D]
    action_emb = action @ Wa + ba                               # [B,L,D]
    context = jnp.concatenate(
        [hero_emb, acting_emb, npl_emb, scalar_emb, bet_emb, action_emb], axis=-1
    )                                                           # [B,L,6D]
    context7 = jnp.broadcast_to(context[:, :, None, :], (B, L, C, 6 * D))
    combined = jnp.concatenate([card_embs, context7], axis=-1)  # [B,L,7,7D]
    h = combined @ Wc + bc                                      # [B,L,7,D]
    h = _layernorm(h, gamma, beta)
    h = h + source_embs[None, None, :, :]
    embeddings = h.reshape(B, L * C, D)
    ev_mask = (jnp.arange(L)[None, :] < seq_lengths[:, None]).astype(jnp.float32)
    mask = jnp.repeat(ev_mask, C, axis=1)                       # [B,L*7]
    embeddings = embeddings * mask[:, :, None]                  # padding rows are zeros, matching torch
    return embeddings, mask

if __name__ == "__main__":
    import jax
    _d = setup_inputs()
    print(jax.jit(kernel)(*tuple(_d.values())))

</pallas_src>

<mosaic_0001>
module attributes {stable_mosaic.version = 14 : i64} {
  func.func @_prep_kernel(%arg0: memref<53x64xf32, #tpu.memory_space<vmem>>, %arg1: memref<2x64xf32, #tpu.memory_space<vmem>>, %arg2: memref<9x64xf32, #tpu.memory_space<vmem>>, %arg3: memref<9x64xf32, #tpu.memory_space<vmem>>, %arg4: memref<10x64xf32, #tpu.memory_space<vmem>>, %arg5: memref<2x64xf32, #tpu.memory_space<vmem>>, %arg6: memref<1x64xf32, #tpu.memory_space<vmem>>, %arg7: memref<9x64xf32, #tpu.memory_space<vmem>>, %arg8: memref<1x64xf32, #tpu.memory_space<vmem>>, %arg9: memref<16x64xf32, #tpu.memory_space<vmem>>, %arg10: memref<1x64xf32, #tpu.memory_space<vmem>>, %arg11: memref<448x64xf32, #tpu.memory_space<vmem>>, %arg12: memref<1x64xf32, #tpu.memory_space<vmem>>, %arg13: memref<1x64xf32, #tpu.memory_space<vmem>>, %arg14: memref<1x64xf32, #tpu.memory_space<vmem>>, %arg15: memref<53x64xf32, #tpu.memory_space<vmem>>, %arg16: memref<55x64xf32, #tpu.memory_space<vmem>>, %arg17: memref<1x64xf32, #tpu.memory_space<vmem>>, %arg18: memref<1x448xf32, #tpu.memory_space<vmem>>, %arg19: memref<7x448xf32, #tpu.memory_space<vmem>>, %arg20: memref<448x7xf32, #tpu.memory_space<vmem>>) attributes {dimension_semantics = [], scalar_prefetch = 0 : i64, scratch_operands = 0 : i64, tpu.core_type = #tpu.core_type<tc>} {
    %get3A = arith.constant 0 : index
    %get3A_0 = arith.constant 0 : index
    %get3A_1 = vector.load %arg11[%get3A, %get3A_0] : memref<448x64xf32, #tpu.memory_space<vmem>>, vector<448x64xf32>
    %slice3A = vector.extract_strided_slice %get3A_1 {offsets = [0, 0], sizes = [64, 64], strides = [1, 1]} : vector<448x64xf32> to vector<64x64xf32>
    %slice3A_2 = vector.extract_strided_slice %get3A_1 {offsets = [64, 0], sizes = [64, 64], strides = [1, 1]} : vector<448x64xf32> to vector<64x64xf32>
    %slice3A_3 = vector.extract_strided_slice %get3A_1 {offsets = [128, 0], sizes = [64, 64], strides = [1, 1]} : vector<448x64xf32> to vector<64x64xf32>
    %slice3A_4 = vector.extract_strided_slice %get3A_1 {offsets = [192, 0], sizes = [64, 64], strides = [1, 1]} : vector<448x64xf32> to vector<64x64xf32>
    %slice3A_5 = vector.extract_strided_slice %get3A_1 {offsets = [256, 0], sizes = [64, 64], strides = [1, 1]} : vector<448x64xf32> to vector<64x64xf32>
    %slice3A_6 = vector.extract_strided_slice %get3A_1 {offsets = [320, 0], sizes = [64, 64], strides = [1, 1]} : vector<448x64xf32> to vector<64x64xf32>
    %slice3A_7 = vector.extract_strided_slice %get3A_1 {offsets = [384, 0], sizes = [64, 64], strides = [1, 1]} : vector<448x64xf32> to vector<64x64xf32>
    %get3A_8 = arith.constant 0 : index
    %get3A_9 = arith.constant 0 : index
    %get3A_10 = vector.load %arg0[%get3A_8, %get3A_9] : memref<53x64xf32, #tpu.memory_space<vmem>>, vector<53x64xf32>
    %dot_general3A = arith.constant dense<0.000000e+00> : vector<53x64xf32>
    %dot_general3A_11 = tpu.matmul %get3A_10, %slice3A, %dot_general3A {dimension_numbers = #tpu.dot_dimension_numbers<[1], [0], [0], [1], [0, 0, 1, 1], [], []>, precision = #tpu.contract_precision<fp32>, transpose_lhs_hint = false} : vector<53x64xf32>, vector<64x64xf32>, vector<53x64xf32> -> vector<53x64xf32>
    %reduce_sum3A = arith.constant dense<0.000000e+00> : vector<53xf32>
    %reduce_sum3A_12 = vector.multi_reduction <add>, %dot_general3A_11, %reduce_sum3A [1] : vector<53x64xf32> to vector<53xf32>
    %broadcast_in_dim3A = vector.shape_cast %reduce_sum3A_12 : vector<53xf32> to vector<53x1xf32>
    %div3A = arith.constant 6.400000e+01 : f32
    %div3A_13 = vector.broadcast %div3A : f32 to vector<53x1xf32>
    %div3A_14 = arith.divf %broadcast_in_dim3A, %div3A_13 : vector<53x1xf32>
    %sub3A = vector.broadcast %div3A_14 : vector<53x1xf32> to vector<53x64xf32>
    %sub3A_15 = arith.subf %dot_general3A_11, %sub3A : vector<53x64xf32>
    %swap3A = arith.constant 0 : index
    %swap3A_16 = arith.constant 0 : index
    %swap3A_17 = vector.load %arg15[%swap3A, %swap3A_16] : memref<53x64xf32, #tpu.memory_space<vmem>>, vector<53x64xf32>
    tpu.vector_store %arg15[%swap3A, %swap3A_16], %sub3A_15 {strides = array<i32>} : memref<53x64xf32, #tpu.memory_space<vmem>>, vector<53x64xf32>,
    %get3A_18 = arith.constant 0 : index
    %get3A_19 = arith.constant 0 : index
    %get3A_20 = vector.load %arg5[%get3A_18, %get3A_19] : memref<2x64xf32, #tpu.memory_space<vmem>>, vector<2x64xf32>
    %dot_general3A_21 = arith.constant dense<0.000000e+00> : vector<2x64xf32>
    %dot_general3A_22 = tpu.matmul %get3A_20, %slice3A_5, %dot_general3A_21 {dimension_numbers = #tpu.dot_dimension_numbers<[1], [0], [0], [1], [0, 0, 1, 1], [], []>, precision = #tpu.contract_precision<fp32>, transpose_lhs_hint = false} : vector<2x64xf32>, vector<64x64xf32>, vector<2x64xf32> -> vector<2x64xf32>
    %get3A_23 = arith.constant 0 : index
    %get3A_24 = arith.constant 0 : index
    %get3A_25 = vector.load %arg7[%get3A_23, %get3A_24] : memref<9x64xf32, #tpu.memory_space<vmem>>, vector<9x64xf32>
    %dot_general3A_26 = arith.constant dense<0.000000e+00> : vector<9x64xf32>
    %dot_general3A_27 = tpu.matmul %get3A_25, %slice3A_6, %dot_general3A_26 {dimension_numbers = #tpu.dot_dimension_numbers<[1], [0], [0], [1], [0, 0, 1, 1], [], []>, precision = #tpu.contract_precision<fp32>, transpose_lhs_hint = false} : vector<9x64xf32>, vector<64x64xf32>, vector<9x64xf32> -> vector<9x64xf32>
    %get3A_28 = arith.constant 0 : index
    %get3A_29 = arith.constant 0 : index
    %get3A_30 = vector.load %arg9[%get3A_28, %get3A_29] : memref<16x64xf32, #tpu.memory_space<vmem>>, vector<16x64xf32>
    %dot_general3A_31 = arith.constant dense<0.000000e+00> : vector<16x64xf32>
    %dot_general3A_32 = tpu.matmul %get3A_30, %slice3A_7, %dot_general3A_31 {dimension_numbers = #tpu.dot_dimension_numbers<[1], [0], [0], [1], [0, 0, 1, 1], [], []>, precision = #tpu.contract_precision<fp32>, transpose_lhs_hint = false} : vector<16x64xf32>, vector<64x64xf32>, vector<16x64xf32> -> vector<16x64xf32>
    %get3A_33 = arith.constant 0 : index
    %get3A_34 = arith.constant 0 : index
    %get3A_35 = vector.load %arg2[%get3A_33, %get3A_34] : memref<9x64xf32, #tpu.memory_space<vmem>>, vector<9x64xf32>
    %dot_general3A_36 = arith.constant dense<0.000000e+00> : vector<9x64xf32>
    %dot_general3A_37 = tpu.matmul %get3A_35, %slice3A_2, %dot_general3A_36 {dimension_numbers = #tpu.dot_dimension_numbers<[1], [0], [0], [1], [0, 0, 1, 1], [], []>, precision = #tpu.contract_precision<fp32>, transpose_lhs_hint = false} : vector<9x64xf32>, vector<64x64xf32>, vector<9x64xf32> -> vector<9x64xf32>
    %get3A_38 = arith.constant 0 : index
    %get3A_39 = arith.constant 0 : index
    %get3A_40 = vector.load %arg3[%get3A_38, %get3A_39] : memref<9x64xf32, #tpu.memory_space<vmem>>, vector<9x64xf32>
    %dot_general3A_41 = arith.constant dense<0.000000e+00> : vector<9x64xf32>
    %dot_general3A_42 = tpu.matmul %get3A_40, %slice3A_3, %dot_general3A_41 {dimension_numbers = #tpu.dot_dimension_numbers<[1], [0], [0], [1], [0, 0, 1, 1], [], []>, precision = #tpu.contract_precision<fp32>, transpose_lhs_hint = false} : vector<9x64xf32>, vector<64x64xf32>, vector<9x64xf32> -> vector<9x64xf32>
    %get3A_43 = arith.constant 0 : index
    %get3A_44 = arith.constant 0 : index
    %get3A_45 = vector.load %arg4[%get3A_43, %get3A_44] : memref<10x64xf32, #tpu.memory_space<vmem>>, vector<10x64xf32>
    %dot_general3A_46 = arith.constant dense<0.000000e+00> : vector<10x64xf32>
    %dot_general3A_47 = tpu.matmul %get3A_45, %slice3A_4, %dot_general3A_46 {dimension_numbers = #tpu.dot_dimension_numbers<[1], [0], [0], [1], [0, 0, 1, 1], [], []>, precision = #tpu.contract_precision<fp32>, transpose_lhs_hint = false} : vector<10x64xf32>, vector<64x64xf32>, vector<10x64xf32> -> vector<10x64xf32>
    %concatenate3A = tpu.concatenate %dot_general3A_22, %dot_general3A_27, %dot_general3A_32, %dot_general3A_37, %dot_general3A_42, %dot_general3A_47 in 0 : vector<2x64xf32>, vector<9x64xf32>, vector<16x64xf32>, vector<9x64xf32>, vector<9x64xf32>, vector<10x64xf32> -> vector<55x64xf32>
    %reduce_sum3A_48 = arith.constant dense<0.000000e+00> : vector<55xf32>
    %reduce_sum3A_49 = vector.multi_reduction <add>, %concatenate3A, %reduce_sum3A_48 [1] : vector<55x64xf32> to vector<55xf32>
    %broadcast_in_dim3A_50 = vector.shape_cast %reduce_sum3A_49 : vector<55xf32> to vector<55x1xf32>
    %div3A_51 = arith.constant 6.400000e+01 : f32
    %div3A_52 = vector.broadcast %div3A_51 : f32 to vector<55x1xf32>
    %div3A_53 = arith.divf %broadcast_in_dim3A_50, %div3A_52 : vector<55x1xf32>
    %sub3A_54 = vector.broadcast %div3A_53 : vector<55x1xf32> to vector<55x64xf32>
    %sub3A_55 = arith.subf %concatenate3A, %sub3A_54 : vector<55x64xf32>
    %swap3A_56 = arith.constant 0 : index
    %swap3A_57 = arith.constant 0 : index
    %swap3A_58 = vector.load %arg16[%swap3A_56, %swap3A_57] : memref<55x64xf32, #tpu.memory_space<vmem>>, vector<55x64xf32>
    tpu.vector_store %arg16[%swap3A_56, %swap3A_57], %sub3A_55 {strides = array<i32>} : memref<55x64xf32, #tpu.memory_space<vmem>>, vector<55x64xf32>,
    %get3A_59 = arith.constant 0 : index
    %get3A_60 = arith.constant 0 : index
    %get3A_61 = vector.load %arg12[%get3A_59, %get3A_60] : memref<1x64xf32, #tpu.memory_space<vmem>>, vector<1x64xf32>
    %get3A_62 = arith.constant 0 : index
    %get3A_63 = arith.constant 0 : index
    %get3A_64 = vector.load %arg6[%get3A_62, %get3A_63] : memref<1x64xf32, #tpu.memory_space<vmem>>, vector<1x64xf32>
    %dot_general3A_65 = arith.constant dense<0.000000e+00> : vector<1x64xf32>
    %dot_general3A_66 = tpu.matmul %get3A_64, %slice3A_5, %dot_general3A_65 {dimension_numbers = #tpu.dot_dimension_numbers<[1], [0], [0], [1], [0, 0, 1, 1], [], []>, precision = #tpu.contract_precision<fp32>, transpose_lhs_hint = false} : vector<1x64xf32>, vector<64x64xf32>, vector<1x64xf32> -> vector<1x64xf32>
    %add3A = arith.addf %get3A_61, %dot_general3A_66 : vector<1x64xf32>
    %get3A_67 = arith.constant 0 : index
    %get3A_68 = arith.constant 0 : index
    %get3A_69 = vector.load %arg8[%get3A_67, %get3A_68] : memref<1x64xf32, #tpu.memory_space<vmem>>, vector<1x64xf32>
    %dot_general3A_70 = arith.constant dense<0.000000e+00> : vector<1x64xf32>
    %dot_general3A_71 = tpu.matmul %get3A_69, %slice3A_6, %dot_general3A_70 {dimension_numbers = #tpu.dot_dimension_numbers<[1], [0], [0], [1], [0, 0, 1, 1], [], []>, precision = #tpu.contract_precision<fp32>, transpose_lhs_hint = false} : vector<1x64xf32>, vector<64x64xf32>, vector<1x64xf32> -> vector<1x64xf32>
    %add3A_72 = arith.addf %add3A, %dot_general3A_71 : vector<1x64xf32>
    %get3A_73 = arith.constant 0 : index
    %get3A_74 = arith.constant 0 : index
    %get3A_75 = vector.load %arg10[%get3A_73, %get3A_74] : memref<1x64xf32, #tpu.memory_space<vmem>>, vector<1x64xf32>
    %dot_general3A_76 = arith.constant dense<0.000000e+00> : vector<1x64xf32>
    %dot_general3A_77 = tpu.matmul %get3A_75, %slice3A_7, %dot_general3A_76 {dimension_numbers = #tpu.dot_dimension_numbers<[1], [0], [0], [1], [0, 0, 1, 1], [], []>, precision = #tpu.contract_precision<fp32>, transpose_lhs_hint = false} : vector<1x64xf32>, vector<64x64xf32>, vector<1x64xf32> -> vector<1x64xf32>
    %add3A_78 = arith.addf %add3A_72, %dot_general3A_77 : vector<1x64xf32>
    %reduce_sum3A_79 = arith.constant dense<0.000000e+00> : vector<1xf32>
    %reduce_sum3A_80 = vector.multi_reduction <add>, %add3A_78, %reduce_sum3A_79 [1] : vector<1x64xf32> to vector<1xf32>
    %broadcast_in_dim3A_81 = vector.shape_cast %reduce_sum3A_80 : vector<1xf32> to vector<1x1xf32>
    %div3A_82 = arith.constant 6.400000e+01 : f32
    %div3A_83 = vector.broadcast %div3A_82 : f32 to vector<1x1xf32>
    %div3A_84 = arith.divf %broadcast_in_dim3A_81, %div3A_83 : vector<1x1xf32>
    %sub3A_85 = vector.broadcast %div3A_84 : vector<1x1xf32> to vector<1x64xf32>
    %sub3A_86 = arith.subf %add3A_78, %sub3A_85 : vector<1x64xf32>
    %swap3A_87 = arith.constant 0 : index
    %swap3A_88 = arith.constant 0 : index
    %swap3A_89 = vector.load %arg17[%swap3A_87, %swap3A_88] : memref<1x64xf32, #tpu.memory_space<vmem>>, vector<1x64xf32>
    tpu.vector_store %arg17[%swap3A_87, %swap3A_88], %sub3A_86 {strides = array<i32>} : memref<1x64xf32, #tpu.memory_space<vmem>>, vector<1x64xf32>,
    %get3A_90 = arith.constant 0 : index
    %get3A_91 = arith.constant 0 : index
    %get3A_92 = vector.load %arg1[%get3A_90, %get3A_91] : memref<2x64xf32, #tpu.memory_space<vmem>>, vector<2x64xf32>
    %get3A_93 = arith.constant 0 : index
    %get3A_94 = arith.constant 0 : index
    %get3A_95 = vector.load %arg14[%get3A_93, %get3A_94] : memref<1x64xf32, #tpu.memory_space<vmem>>, vector<1x64xf32>
    %slice3A_96 = vector.extract_strided_slice %get3A_92 {offsets = [0, 0], sizes = [1, 64], strides = [1, 1]} : vector<2x64xf32> to vector<1x64xf32>
    %broadcast_in_dim3A_97 = vector.shape_cast %slice3A_96 : vector<1x64xf32> to vector<1x64xf32>
    %broadcast_in_dim3A_98 = vector.broadcast %broadcast_in_dim3A_97 : vector<1x64xf32> to vector<5x64xf32>
    %slice3A_99 = vector.extract_strided_slice %get3A_92 {offsets = [1, 0], sizes = [1, 64], strides = [1, 1]} : vector<2x64xf32> to vector<1x64xf32>
    %broadcast_in_dim3A_100 = vector.shape_cast %slice3A_99 : vector<1x64xf32> to vector<1x64xf32>
    %broadcast_in_dim3A_101 = vector.broadcast %broadcast_in_dim3A_100 : vector<1x64xf32> to vector<2x64xf32>
    %concatenate3A_102 = tpu.concatenate %broadcast_in_dim3A_98, %broadcast_in_dim3A_101 in 0 : vector<5x64xf32>, vector<2x64xf32> -> vector<7x64xf32>
    %add3A_103 = vector.broadcast %get3A_95 : vector<1x64xf32> to vector<7x64xf32>
    %add3A_104 = arith.addf %add3A_103, %concatenate3A_102 : vector<7x64xf32>
    %slice3A_105 = vector.extract_strided_slice %add3A_104 {offsets = [0, 0], sizes = [1, 64], strides = [1, 1]} : vector<7x64xf32> to vector<1x64xf32>
    %slice3A_106 = vector.extract_strided_slice %add3A_104 {offsets = [1, 0], sizes = [1, 64], strides = [1, 1]} : vector<7x64xf32> to vector<1x64xf32>
    %slice3A_107 = vector.extract_strided_slice %add3A_104 {offsets = [2, 0], sizes = [1, 64], strides = [1, 1]} : vector<7x64xf32> to vector<1x64xf32>
    %slice3A_108 = vector.extract_strided_slice %add3A_104 {offsets = [3, 0], sizes = [1, 64], strides = [1, 1]} : vector<7x64xf32> to vector<1x64xf32>
    %slice3A_109 = vector.extract_strided_slice %add3A_104 {offsets = [4, 0], sizes = [1, 64], strides = [1, 1]} : vector<7x64xf32> to vector<1x64xf32>
    %slice3A_110 = vector.extract_strided_slice %add3A_104 {offsets = [5, 0], sizes = [1, 64], strides = [1, 1]} : vector<7x64xf32> to vector<1x64xf32>
    %slice3A_111 = vector.extract_strided_slice %add3A_104 {offsets = [6, 0], sizes = [1, 64], strides = [1, 1]} : vector<7x64xf32> to vector<1x64xf32>
    %concatenate3A_112 = tpu.concatenate %slice3A_105, %slice3A_106, %slice3A_107, %slice3A_108, %slice3A_109, %slice3A_110, %slice3A_111 in 1 : vector<1x64xf32>, vector<1x64xf32>, vector<1x64xf32>, vector<1x64xf32>, vector<1x64xf32>, vector<1x64xf32>, vector<1x64xf32> -> vector<1x448xf32>
    %swap3A_113 = arith.constant 0 : index
    %swap3A_114 = arith.constant 0 : index
    %swap3A_115 = vector.load %arg18[%swap3A_113, %swap3A_114] : memref<1x448xf32, #tpu.memory_space<vmem>>, vector<1x448xf32>
    tpu.vector_store %arg18[%swap3A_113, %swap3A_114], %concatenate3A_112 {strides = array<i32>} : memref<1x448xf32, #tpu.memory_space<vmem>>, vector<1x448xf32>,
    %broadcast_in_dim3A_116 = arith.constant 0.000000e+00 : f32
    %broadcast_in_dim3A_117 = vector.broadcast %broadcast_in_dim3A_116 : f32 to vector<1x64xf32>
    %get3A_118 = arith.constant 0 : index
    %get3A_119 = arith.constant 0 : index
    %get3A_120 = vector.load %arg13[%get3A_118, %get3A_119] : memref<1x64xf32, #tpu.memory_space<vmem>>, vector<1x64xf32>
    %concatenate3A_121 = tpu.concatenate %get3A_120, %broadcast_in_dim3A_117, %broadcast_in_dim3A_117, %broadcast_in_dim3A_117, %broadcast_in_dim3A_117, %broadcast_in_dim3A_117, %broadcast_in_dim3A_117 in 1 : vector<1x64xf32>, vector<1x64xf32>, vector<1x64xf32>, vector<1x64xf32>, vector<1x64xf32>, vector<1x64xf32>, vector<1x64xf32> -> vector<1x448xf32>
    %get3A_122 = arith.constant 0 : index
    %get3A_123 = arith.constant 0 : index
    %get3A_124 = vector.load %arg13[%get3A_122, %get3A_123] : memref<1x64xf32, #tpu.memory_space<vmem>>, vector<1x64xf32>
    %concatenate3A_125 = tpu.concatenate %broadcast_in_dim3A_117, %get3A_124, %broadcast_in_dim3A_117, %broadcast_in_dim3A_117, %broadcast_in_dim3A_117, %broadcast_in_dim3A_117, %broadcast_in_dim3A_117 in 1 : vector<1x64xf32>, vector<1x64xf32>, vector<1x64xf32>, vector<1x64xf32>, vector<1x64xf32>, vector<1x64xf32>, vector<1x64xf32> -> vector<1x448xf32>
    %get3A_126 = arith.constant 0 : index
    %get3A_127 = arith.constant 0 : index
    %get3A_128 = vector.load %arg13[%get3A_126, %get3A_127] : memref<1x64xf32, #tpu.memory_space<vmem>>, vector<1x64xf32>
    %concatenate3A_129 = tpu.concatenate %broadcast_in_dim3A_117, %broadcast_in_dim3A_117, %get3A_128, %broadcast_in_dim3A_117, %broadcast_in_dim3A_117, %broadcast_in_dim3A_117, %broadcast_in_dim3A_117 in 1 : vector<1x64xf32>, vector<1x64xf32>, vector<1x64xf32>, vector<1x64xf32>, vector<1x64xf32>, vector<1x64xf32>, vector<1x64xf32> -> vector<1x448xf32>
    %get3A_130 = arith.constant 0 : index
    %get3A_131 = arith.constant 0 : index
    %get3A_132 = vector.load %arg13[%get3A_130, %get3A_131] : memref<1x64xf32, #tpu.memory_space<vmem>>, vector<1x64xf32>
    %concatenate3A_133 = tpu.concatenate %broadcast_in_dim3A_117, %broadcast_in_dim3A_117, %broadcast_in_dim3A_117, %get3A_132, %broadcast_in_dim3A_117, %broadcast_in_dim3A_117, %broadcast_in_dim3A_117 in 1 : vector<1x64xf32>, vector<1x64xf32>, vector<1x64xf32>, vector<1x64xf32>, vector<1x64xf32>, vector<1x64xf32>, vector<1x64xf32> -> vector<1x448xf32>
    %get3A_134 = arith.constant 0 : index
    %get3A_135 = arith.constant 0 : index
    %get3A_136 = vector.load %arg13[%get3A_134, %get3A_135] : memref<1x64xf32, #tpu.memory_space<vmem>>, vector<1x64xf32>
    %concatenate3A_137 = tpu.concatenate %broadcast_in_dim3A_117, %broadcast_in_dim3A_117, %broadcast_in_dim3A_117, %broadcast_in_dim3A_117, %get3A_136, %broadcast_in_dim3A_117, %broadcast_in_dim3A_117 in 1 : vector<1x64xf32>, vector<1x64xf32>, vector<1x64xf32>, vector<1x64xf32>, vector<1x64xf32>, vector<1x64xf32>, vector<1x64xf32> -> vector<1x448xf32>
    %get3A_138 = arith.constant 0 : index
    %get3A_139 = arith.constant 0 : index
    %get3A_140 = vector.load %arg13[%get3A_138, %get3A_139] : memref<1x64xf32, #tpu.memory_space<vmem>>, vector<1x64xf32>
    %concatenate3A_141 = tpu.concatenate %broadcast_in_dim3A_117, %broadcast_in_dim3A_117, %broadcast_in_dim3A_117, %broadcast_in_dim3A_117, %broadcast_in_dim3A_117, %get3A_140, %broadcast_in_dim3A_117 in 1 : vector<1x64xf32>, vector<1x64xf32>, vector<1x64xf32>, vector<1x64xf32>, vector<1x64xf32>, vector<1x64xf32>, vector<1x64xf32> -> vector<1x448xf32>
    %get3A_142 = arith.constant 0 : index
    %get3A_143 = arith.constant 0 : index
    %get3A_144 = vector.load %arg13[%get3A_142, %get3A_143] : memref<1x64xf32, #tpu.memory_space<vmem>>, vector<1x64xf32>
    %concatenate3A_145 = tpu.concatenate %broadcast_in_dim3A_117, %broadcast_in_dim3A_117, %broadcast_in_dim3A_117, %broadcast_in_dim3A_117, %broadcast_in_dim3A_117, %broadcast_in_dim3A_117, %get3A_144 in 1 : vector<1x64xf32>, vector<1x64xf32>, vector<1x64xf32>, vector<1x64xf32>, vector<1x64xf32>, vector<1x64xf32>, vector<1x64xf32> -> vector<1x448xf32>
    %concatenate3A_146 = tpu.concatenate %concatenate3A_121, %concatenate3A_125, %concatenate3A_129, %concatenate3A_133, %concatenate3A_137, %concatenate3A_141, %concatenate3A_145 in 0 : vector<1x448xf32>, vector<1x448xf32>, vector<1x448xf32>, vector<1x448xf32>, vector<1x448xf32>, vector<1x448xf32>, vector<1x448xf32> -> vector<7x448xf32>
    %swap3A_147 = arith.constant 0 : index
    %swap3A_148 = arith.constant 0 : index
    %swap3A_149 = vector.load %arg19[%swap3A_147, %swap3A_148] : memref<7x448xf32, #tpu.memory_space<vmem>>, vector<7x448xf32>
    tpu.vector_store %arg19[%swap3A_147, %swap3A_148], %concatenate3A_146 {strides = array<i32>} : memref<7x448xf32, #tpu.memory_space<vmem>>, vector<7x448xf32>,
    %iota3A = tpu.iota {dimensions = array<i32: 0>} : vector<448x7xi32>
    %jit3A = arith.constant 64 : i32
    %div3A_150 = vector.broadcast %jit3A : i32 to vector<448x7xi32>
    %div3A_151 = arith.divsi %iota3A, %div3A_150 : vector<448x7xi32>
    %sign3A = arith.constant 0 : i32
    %sign3A_152 = vector.broadcast %sign3A : i32 to vector<448x7xi32>
    %sign3A_153 = arith.cmpi sgt, %iota3A, %sign3A_152 : vector<448x7xi32>
    %sign3A_154 = arith.extui %sign3A_153 : vector<448x7xi1> to vector<448x7xi32>
    %sign3A_155 = arith.constant 0 : i32
    %sign3A_156 = vector.broadcast %sign3A_155 : i32 to vector<448x7xi32>
    %sign3A_157 = arith.cmpi slt, %iota3A, %sign3A_156 : vector<448x7xi32>
    %sign3A_158 = arith.extui %sign3A_157 : vector<448x7xi1> to vector<448x7xi32>
    %sign3A_159 = arith.subi %sign3A_154, %sign3A_158 : vector<448x7xi32>
    %sign3A_160 = arith.constant 0 : i32
    %sign3A_161 = arith.cmpi sgt, %jit3A, %sign3A_160 : i32
    %sign3A_162 = arith.extui %sign3A_161 : i1 to i32
    %sign3A_163 = arith.constant 0 : i32
    %sign3A_164 = arith.cmpi slt, %jit3A, %sign3A_163 : i32
    %sign3A_165 = arith.extui %sign3A_164 : i1 to i32
    %sign3A_166 = arith.subi %sign3A_162, %sign3A_165 : i32
    %ne3A = vector.broadcast %sign3A_166 : i32 to vector<448x7xi32>
    %ne3A_167 = arith.cmpi ne, %sign3A_159, %ne3A : vector<448x7xi32>
    %rem3A = vector.broadcast %jit3A : i32 to vector<448x7xi32>
    %rem3A_168 = arith.remsi %iota3A, %rem3A : vector<448x7xi32>
    %ne3A_169 = arith.constant 0 : i32
    %ne3A_170 = vector.broadcast %ne3A_169 : i32 to vector<448x7xi32>
    %ne3A_171 = arith.cmpi ne, %rem3A_168, %ne3A_170 : vector<448x7xi32>
    %and3A = arith.andi %ne3A_167, %ne3A_171 : vector<448x7xi1>
    %sub3A_172 = arith.constant 1 : i32
    %sub3A_173 = vector.broadcast %sub3A_172 : i32 to vector<448x7xi32>
    %sub3A_174 = arith.subi %div3A_151, %sub3A_173 : vector<448x7xi32>
    %select_n3A = arith.select %and3A, %sub3A_174, %div3A_151 : vector<448x7xi1>, vector<448x7xi32>
    %iota3A_175 = tpu.iota {dimensions = array<i32: 1>} : vector<448x7xi32>
    %eq3A = arith.cmpi eq, %select_n3A, %iota3A_175 : vector<448x7xi32>
    %convert_element_type3A = arith.extui %eq3A : vector<448x7xi1> to vector<448x7xi32>
    %convert_element_type3A_176 = arith.sitofp %convert_element_type3A : vector<448x7xi32> to vector<448x7xf32>
    %swap3A_177 = arith.constant 0 : index
    %swap3A_178 = arith.constant 0 : index
    %swap3A_179 = vector.load %arg20[%swap3A_177, %swap3A_178] : memref<448x7xf32, #tpu.memory_space<vmem>>, vector<448x7xf32>
    tpu.vector_store %arg20[%swap3A_177, %swap3A_178], %convert_element_type3A_176 {strides = array<i32>} : memref<448x7xf32, #tpu.memory_space<vmem>>, vector<448x7xf32>,
    return
  }
}

module attributes {stable_mosaic.version = 14 : i64} {
  func.func @_main_kernel(%arg0: i32, %arg1: memref<3200x38xf32, #tpu.memory_space<vmem>>, %arg2: memref<64x1xi32, #tpu.memory_space<vmem>>, %arg3: memref<53x64xf32, #tpu.memory_space<vmem>>, %arg4: memref<55x64xf32, #tpu.memory_space<vmem>>, %arg5: memref<1x64xf32, #tpu.memory_space<vmem>>, %arg6: memref<1x448xf32, #tpu.memory_space<vmem>>, %arg7: memref<7x448xf32, #tpu.memory_space<vmem>>, %arg8: memref<448x7xf32, #tpu.memory_space<vmem>>, %arg9: memref<3200x448xf32, #tpu.memory_space<vmem>>, %arg10: memref<64x350xf32, #tpu.memory_space<vmem>>) attributes {dimension_semantics = [#tpu.dimension_semantics<arbitrary>], iteration_bounds = array<i64: 16>, scalar_prefetch = 0 : i64, scratch_operands = 0 : i64, tpu.core_type = #tpu.core_type<tc>, window_params = [{transform_indices = @transform_0, window_bounds = array<i64: 3200, 38>}, {transform_indices = @transform_1, window_bounds = array<i64: 64, 1>}, {pipeline_mode = #tpu.pipeline_mode<synchronous>, transform_indices = @transform_2, window_bounds = array<i64: 53, 64>}, {pipeline_mode = #tpu.pipeline_mode<synchronous>, transform_indices = @transform_3, window_bounds = array<i64: 55, 64>}, {pipeline_mode = #tpu.pipeline_mode<synchronous>, transform_indices = @transform_4, window_bounds = array<i64: 1, 64>}, {pipeline_mode = #tpu.pipeline_mode<synchronous>, transform_indices = @transform_5, window_bounds = array<i64: 1, 448>}, {pipeline_mode = #tpu.pipeline_mode<synchronous>, transform_indices = @transform_6, window_bounds = array<i64: 7, 448>}, {pipeline_mode = #tpu.pipeline_mode<synchronous>, transform_indices = @transform_7, window_bounds = array<i64: 448, 7>}, {transform_indices = @transform_8, window_bounds = array<i64: 3200, 448>}, {transform_indices = @transform_9, window_bounds = array<i64: 64, 350>}]} {
    %get3A = arith.constant 0 : index
    %get3A_0 = arith.constant 0 : index
    %get3A_1 = vector.load %arg1[%get3A, %get3A_0] : memref<3200x38xf32, #tpu.memory_space<vmem>>, vector<3200x38xf32>
    %iota3A = tpu.iota {dimensions = array<i32: 1>} : vector<3200x9xi32>
    %convert_element_type3A = arith.sitofp %iota3A : vector<3200x9xi32> to vector<3200x9xf32>
    %iota3A_2 = tpu.iota {dimensions = array<i32: 1>} : vector<3200x10xi32>
    %convert_element_type3A_3 = arith.sitofp %iota3A_2 : vector<3200x10xi32> to vector<3200x10xf32>
    %slice3A = vector.extract_strided_slice %get3A_1 {offsets = [0, 0], sizes = [3200, 27], strides = [1, 1]} : vector<3200x38xf32> to vector<3200x27xf32>
    %slice3A_4 = vector.extract_strided_slice %get3A_1 {offsets = [0, 34], sizes = [3200, 1], strides = [1, 1]} : vector<3200x38xf32> to vector<3200x1xf32>
    %eq3A = vector.broadcast %slice3A_4 : vector<3200x1xf32> to vector<3200x9xf32>
    %eq3A_5 = arith.cmpf oeq, %eq3A, %convert_element_type3A : vector<3200x9xf32>
    %convert_element_type3A_6 = arith.extui %eq3A_5 : vector<3200x9xi1> to vector<3200x9xi32>
    %convert_element_type3A_7 = arith.sitofp %convert_element_type3A_6 : vector<3200x9xi32> to vector<3200x9xf32>
    %slice3A_8 = vector.extract_strided_slice %get3A_1 {offsets = [0, 35], sizes = [3200, 1], strides = [1, 1]} : vector<3200x38xf32> to vector<3200x1xf32>
    %eq3A_9 = vector.broadcast %slice3A_8 : vector<3200x1xf32> to vector<3200x9xf32>
    %eq3A_10 = arith.cmpf oeq, %eq3A_9, %convert_element_type3A : vector<3200x9xf32>
    %convert_element_type3A_11 = arith.extui %eq3A_10 : vector<3200x9xi1> to vector<3200x9xi32>
    %convert_element_type3A_12 = arith.sitofp %convert_element_type3A_11 : vector<3200x9xi32> to vector<3200x9xf32>
    %slice3A_13 = vector.extract_strided_slice %get3A_1 {offsets = [0, 36], sizes = [3200, 1], strides = [1, 1]} : vector<3200x38xf32> to vector<3200x1xf32>
    %eq3A_14 = vector.broadcast %slice3A_13 : vector<3200x1xf32> to vector<3200x10xf32>
    %eq3A_15 = arith.cmpf oeq, %eq3A_14, %convert_element_type3A_3 : vector<3200x10xf32>
    %convert_element_type3A_16 = arith.extui %eq3A_15 : vector<3200x10xi1> to vector<3200x10xi32>
    %convert_element_type3A_17 = arith.sitofp %convert_element_type3A_16 : vector<3200x10xi32> to vector<3200x10xf32>
    %concatenate3A = tpu.concatenate %slice3A, %convert_element_type3A_7, %convert_element_type3A_12, %convert_element_type3A_17 in 1 : vector<3200x27xf32>, vector<3200x9xf32>, vector<3200x9xf32>, vector<3200x10xf32> -> vector<3200x55xf32>
    %get3A_18 = arith.constant 0 : index
    %get3A_19 = arith.constant 0 : index
    %get3A_20 = vector.load %arg4[%get3A_18, %get3A_19] : memref<55x64xf32, #tpu.memory_space<vmem>>, vector<55x64xf32>
    %dot_general3A = arith.constant dense<0.000000e+00> : vector<3200x64xf32>
    %dot_general3A_21 = tpu.matmul %concatenate3A, %get3A_20, %dot_general3A {dimension_numbers = #tpu.dot_dimension_numbers<[1], [0], [0], [1], [0, 0, 1, 1], [], []>, transpose_lhs_hint = false} : vector<3200x55xf32>, vector<55x64xf32>, vector<3200x64xf32> -> vector<3200x64xf32>
    %get3A_22 = arith.constant 0 : index
    %get3A_23 = arith.constant 0 : index
    %get3A_24 = vector.load %arg5[%get3A_22, %get3A_23] : memref<1x64xf32, #tpu.memory_space<vmem>>, vector<1x64xf32>
    %add3A = vector.broadcast %get3A_24 : vector<1x64xf32> to vector<3200x64xf32>
    %add3A_25 = arith.addf %dot_general3A_21, %add3A : vector<3200x64xf32>
    %iota3A_26 = tpu.iota {dimensions = array<i32: 0>} : vector<3200x1xi32>
    %jit3A = arith.constant 50 : i32
    %eq3A_27 = arith.constant 0 : i32
    %eq3A_28 = arith.cmpi eq, %jit3A, %eq3A_27 : i32
    %jit3A_29 = arith.constant 1 : i32
    %select_n3A = arith.select %eq3A_28, %jit3A_29, %jit3A : i32
    %rem3A = vector.broadcast %select_n3A : i32 to vector<3200x1xi32>
    %rem3A_30 = arith.remsi %iota3A_26, %rem3A : vector<3200x1xi32>
    %ne3A = arith.constant 0 : i32
    %ne3A_31 = vector.broadcast %ne3A : i32 to vector<3200x1xi32>
    %ne3A_32 = arith.cmpi ne, %rem3A_30, %ne3A_31 : vector<3200x1xi32>
    %lt3A = arith.constant 0 : i32
    %lt3A_33 = vector.broadcast %lt3A : i32 to vector<3200x1xi32>
    %lt3A_34 = arith.cmpi slt, %rem3A_30, %lt3A_33 : vector<3200x1xi32>
    %lt3A_35 = arith.constant 0 : i32
    %lt3A_36 = arith.cmpi slt, %select_n3A, %lt3A_35 : i32
    %ne3A_37 = vector.broadcast %lt3A_36 : i1 to vector<3200x1xi1>
    %ne3A_38 = vector.broadcast %ne3A_37 : vector<3200x1xi1> to vector<3200x1xi1>
    %ne3A_39 = arith.xori %lt3A_34, %ne3A_38 : vector<3200x1xi1>
    %and3A = arith.andi %ne3A_39, %ne3A_32 : vector<3200x1xi1>
    %add3A_40 = vector.broadcast %select_n3A : i32 to vector<3200x1xi32>
    %add3A_41 = arith.addi %rem3A_30, %add3A_40 : vector<3200x1xi32>
    %select_n3A_42 = arith.select %and3A, %add3A_41, %rem3A_30 : vector<3200x1xi1>, vector<3200x1xi32>
    %convert_element_type3A_43 = arith.sitofp %select_n3A_42 : vector<3200x1xi32> to vector<3200x1xf32>
    %slice3A_44 = vector.extract_strided_slice %get3A_1 {offsets = [0, 37], sizes = [3200, 1], strides = [1, 1]} : vector<3200x38xf32> to vector<3200x1xf32>
    %lt3A_45 = arith.cmpf olt, %convert_element_type3A_43, %slice3A_44 : vector<3200x1xf32>
    %convert_element_type3A_46 = arith.extui %lt3A_45 : vector<3200x1xi1> to vector<3200x1xi32>
    %convert_element_type3A_47 = arith.sitofp %convert_element_type3A_46 : vector<3200x1xi32> to vector<3200x1xf32>
    %iota3A_48 = tpu.iota {dimensions = array<i32: 1>} : vector<3200x53xi32>
    %convert_element_type3A_49 = arith.sitofp %iota3A_48 : vector<3200x53xi32> to vector<3200x53xf32>
    %get3A_50 = arith.constant 0 : index
    %get3A_51 = arith.constant 0 : index
    %get3A_52 = vector.load %arg3[%get3A_50, %get3A_51] : memref<53x64xf32, #tpu.memory_space<vmem>>, vector<53x64xf32>
    %slice3A_53 = vector.extract_strided_slice %get3A_1 {offsets = [0, 27], sizes = [3200, 1], strides = [1, 1]} : vector<3200x38xf32> to vector<3200x1xf32>
    %eq3A_54 = vector.broadcast %slice3A_53 : vector<3200x1xf32> to vector<3200x53xf32>
    %eq3A_55 = arith.cmpf oeq, %eq3A_54, %convert_element_type3A_49 : vector<3200x53xf32>
    %convert_element_type3A_56 = arith.extui %eq3A_55 : vector<3200x53xi1> to vector<3200x53xi32>
    %convert_element_type3A_57 = arith.sitofp %convert_element_type3A_56 : vector<3200x53xi32> to vector<3200x53xf32>
    %dot_general3A_58 = arith.constant dense<0.000000e+00> : vector<3200x64xf32>
    %dot_general3A_59 = tpu.matmul %convert_element_type3A_57, %get3A_52, %dot_general3A_58 {dimension_numbers = #tpu.dot_dimension_numbers<[1], [0], [0], [1], [0, 0, 1, 1], [], []>, transpose_lhs_hint = false} : vector<3200x53xf32>, vector<53x64xf32>, vector<3200x64xf32> -> vector<3200x64xf32>
    %add3A_60 = arith.addf %dot_general3A_59, %add3A_25 : vector<3200x64xf32>
    %slice3A_61 = vector.extract_strided_slice %get3A_1 {offsets = [0, 28], sizes = [3200, 1], strides = [1, 1]} : vector<3200x38xf32> to vector<3200x1xf32>
    %eq3A_62 = vector.broadcast %slice3A_61 : vector<3200x1xf32> to vector<3200x53xf32>
    %eq3A_63 = arith.cmpf oeq, %eq3A_62, %convert_element_type3A_49 : vector<3200x53xf32>
    %convert_element_type3A_64 = arith.extui %eq3A_63 : vector<3200x53xi1> to vector<3200x53xi32>
    %convert_element_type3A_65 = arith.sitofp %convert_element_type3A_64 : vector<3200x53xi32> to vector<3200x53xf32>
    %dot_general3A_66 = arith.constant dense<0.000000e+00> : vector<3200x64xf32>
    %dot_general3A_67 = tpu.matmul %convert_element_type3A_65, %get3A_52, %dot_general3A_66 {dimension_numbers = #tpu.dot_dimension_numbers<[1], [0], [0], [1], [0, 0, 1, 1], [], []>, transpose_lhs_hint = false} : vector<3200x53xf32>, vector<53x64xf32>, vector<3200x64xf32> -> vector<3200x64xf32>
    %add3A_68 = arith.addf %dot_general3A_67, %add3A_25 : vector<3200x64xf32>
    %slice3A_69 = vector.extract_strided_slice %get3A_1 {offsets = [0, 29], sizes = [3200, 1], strides = [1, 1]} : vector<3200x38xf32> to vector<3200x1xf32>
    %eq3A_70 = vector.broadcast %slice3A_69 : vector<3200x1xf32> to vector<3200x53xf32>
    %eq3A_71 = arith.cmpf oeq, %eq3A_70, %convert_element_type3A_49 : vector<3200x53xf32>
    %convert_element_type3A_72 = arith.extui %eq3A_71 : vector<3200x53xi1> to vector<3200x53xi32>
    %convert_element_type3A_73 = arith.sitofp %convert_element_type3A_72 : vector<3200x53xi32> to vector<3200x53xf32>
    %dot_general3A_74 = arith.constant dense<0.000000e+00> : vector<3200x64xf32>
    %dot_general3A_75 = tpu.matmul %convert_element_type3A_73, %get3A_52, %dot_general3A_74 {dimension_numbers = #tpu.dot_dimension_numbers<[1], [0], [0], [1], [0, 0, 1, 1], [], []>, transpose_lhs_hint = false} : vector<3200x53xf32>, vector<53x64xf32>, vector<3200x64xf32> -> vector<3200x64xf32>
    %add3A_76 = arith.addf %dot_general3A_75, %add3A_25 : vector<3200x64xf32>
    %slice3A_77 = vector.extract_strided_slice %get3A_1 {offsets = [0, 30], sizes = [3200, 1], strides = [1, 1]} : vector<3200x38xf32> to vector<3200x1xf32>
    %eq3A_78 = vector.broadcast %slice3A_77 : vector<3200x1xf32> to vector<3200x53xf32>
    %eq3A_79 = arith.cmpf oeq, %eq3A_78, %convert_element_type3A_49 : vector<3200x53xf32>
    %convert_element_type3A_80 = arith.extui %eq3A_79 : vector<3200x53xi1> to vector<3200x53xi32>
    %convert_element_type3A_81 = arith.sitofp %convert_element_type3A_80 : vector<3200x53xi32> to vector<3200x53xf32>
    %dot_general3A_82 = arith.constant dense<0.000000e+00> : vector<3200x64xf32>
    %dot_general3A_83 = tpu.matmul %convert_element_type3A_81, %get3A_52, %dot_general3A_82 {dimension_numbers = #tpu.dot_dimension_numbers<[1], [0], [0], [1], [0, 0, 1, 1], [], []>, transpose_lhs_hint = false} : vector<3200x53xf32>, vector<53x64xf32>, vector<3200x64xf32> -> vector<3200x64xf32>
    %add3A_84 = arith.addf %dot_general3A_83, %add3A_25 : vector<3200x64xf32>
    %slice3A_85 = vector.extract_strided_slice %get3A_1 {offsets = [0, 31], sizes = [3200, 1], strides = [1, 1]} : vector<3200x38xf32> to vector<3200x1xf32>
    %eq3A_86 = vector.broadcast %slice3A_85 : vector<3200x1xf32> to vector<3200x53xf32>
    %eq3A_87 = arith.cmpf oeq, %eq3A_86, %convert_element_type3A_49 : vector<3200x53xf32>
    %convert_element_type3A_88 = arith.extui %eq3A_87 : vector<3200x53xi1> to vector<3200x53xi32>
    %convert_element_type3A_89 = arith.sitofp %convert_element_type3A_88 : vector<3200x53xi32> to vector<3200x53xf32>
    %dot_general3A_90 = arith.constant dense<0.000000e+00> : vector<3200x64xf32>
    %dot_general3A_91 = tpu.matmul %convert_element_type3A_89, %get3A_52, %dot_general3A_90 {dimension_numbers = #tpu.dot_dimension_numbers<[1], [0], [0], [1], [0, 0, 1, 1], [], []>, transpose_lhs_hint = false} : vector<3200x53xf32>, vector<53x64xf32>, vector<3200x64xf32> -> vector<3200x64xf32>
    %add3A_92 = arith.addf %dot_general3A_91, %add3A_25 : vector<3200x64xf32>
    %slice3A_93 = vector.extract_strided_slice %get3A_1 {offsets = [0, 32], sizes = [3200, 1], strides = [1, 1]} : vector<3200x38xf32> to vector<3200x1xf32>
    %eq3A_94 = vector.broadcast %slice3A_93 : vector<3200x1xf32> to vector<3200x53xf32>
    %eq3A_95 = arith.cmpf oeq, %eq3A_94, %convert_element_type3A_49 : vector<3200x53xf32>
    %convert_element_type3A_96 = arith.extui %eq3A_95 : vector<3200x53xi1> to vector<3200x53xi32>
    %convert_element_type3A_97 = arith.sitofp %convert_element_type3A_96 : vector<3200x53xi32> to vector<3200x53xf32>
    %dot_general3A_98 = arith.constant dense<0.000000e+00> : vector<3200x64xf32>
    %dot_general3A_99 = tpu.matmul %convert_element_type3A_97, %get3A_52, %dot_general3A_98 {dimension_numbers = #tpu.dot_dimension_numbers<[1], [0], [0], [1], [0, 0, 1, 1], [], []>, transpose_lhs_hint = false} : vector<3200x53xf32>, vector<53x64xf32>, vector<3200x64xf32> -> vector<3200x64xf32>
    %add3A_100 = arith.addf %dot_general3A_99, %add3A_25 : vector<3200x64xf32>
    %slice3A_101 = vector.extract_strided_slice %get3A_1 {offsets = [0, 33], sizes = [3200, 1], strides = [1, 1]} : vector<3200x38xf32> to vector<3200x1xf32>
    %eq3A_102 = vector.broadcast %slice3A_101 : vector<3200x1xf32> to vector<3200x53xf32>
    %eq3A_103 = arith.cmpf oeq, %eq3A_102, %convert_element_type3A_49 : vector<3200x53xf32>
    %convert_element_type3A_104 = arith.extui %eq3A_103 : vector<3200x53xi1> to vector<3200x53xi32>
    %convert_element_type3A_105 = arith.sitofp %convert_element_type3A_104 : vector<3200x53xi32> to vector<3200x53xf32>
    %dot_general3A_106 = arith.constant dense<0.000000e+00> : vector<3200x64xf32>
    %dot_general3A_107 = tpu.matmul %convert_element_type3A_105, %get3A_52, %dot_general3A_106 {dimension_numbers = #tpu.dot_dimension_numbers<[1], [0], [0], [1], [0, 0, 1, 1], [], []>, transpose_lhs_hint = false} : vector<3200x53xf32>, vector<53x64xf32>, vector<3200x64xf32> -> vector<3200x64xf32>
    %add3A_108 = arith.addf %dot_general3A_107, %add3A_25 : vector<3200x64xf32>
    %concatenate3A_109 = tpu.concatenate %add3A_60, %add3A_68, %add3A_76, %add3A_84, %add3A_92, %add3A_100, %add3A_108 in 1 : vector<3200x64xf32>, vector<3200x64xf32>, vector<3200x64xf32>, vector<3200x64xf32>, vector<3200x64xf32>, vector<3200x64xf32>, vector<3200x64xf32> -> vector<3200x448xf32>
    %mul3A = arith.mulf %concatenate3A_109, %concatenate3A_109 : vector<3200x448xf32>
    %get3A_110 = arith.constant 0 : index
    %get3A_111 = arith.constant 0 : index
    %get3A_112 = vector.load %arg8[%get3A_110, %get3A_111] : memref<448x7xf32, #tpu.memory_space<vmem>>, vector<448x7xf32>
    %dot_general3A_113 = arith.constant dense<0.000000e+00> : vector<3200x7xf32>
    %dot_general3A_114 = tpu.matmul %mul3A, %get3A_112, %dot_general3A_113 {dimension_numbers = #tpu.dot_dimension_numbers<[1], [0], [0], [1], [0, 0, 1, 1], [], []>, transpose_lhs_hint = false} : vector<3200x448xf32>, vector<448x7xf32>, vector<3200x7xf32> -> vector<3200x7xf32>
    %mul3A_115 = arith.constant 1.562500e-02 : f32
    %mul3A_116 = vector.broadcast %mul3A_115 : f32 to vector<3200x7xf32>
    %mul3A_117 = arith.mulf %dot_general3A_114, %mul3A_116 : vector<3200x7xf32>
    %add3A_118 = arith.constant 9.99999974E-6 : f32
    %add3A_119 = vector.broadcast %add3A_118 : f32 to vector<3200x7xf32>
    %add3A_120 = arith.addf %mul3A_117, %add3A_119 : vector<3200x7xf32>
    %rsqrt3A = math.rsqrt %add3A_120 : vector<3200x7xf32>
    %broadcast_in_dim3A = arith.constant 1.000000e+00 : f32
    %broadcast_in_dim3A_121 = vector.broadcast %broadcast_in_dim3A : f32 to vector<1x7xf32>
    %dot_general3A_122 = arith.constant dense<0.000000e+00> : vector<3200x7xf32>
    %dot_general3A_123 = tpu.matmul %convert_element_type3A_47, %broadcast_in_dim3A_121, %dot_general3A_122 {dimension_numbers = #tpu.dot_dimension_numbers<[1], [0], [0], [1], [0, 0, 1, 1], [], []>, transpose_lhs_hint = false} : vector<3200x1xf32>, vector<1x7xf32>, vector<3200x7xf32> -> vector<3200x7xf32>
    %mul3A_124 = arith.mulf %rsqrt3A, %dot_general3A_123 : vector<3200x7xf32>
    %get3A_125 = arith.constant 0 : index
    %get3A_126 = arith.constant 0 : index
    %get3A_127 = vector.load %arg7[%get3A_125, %get3A_126] : memref<7x448xf32, #tpu.memory_space<vmem>>, vector<7x448xf32>
    %dot_general3A_128 = arith.constant dense<0.000000e+00> : vector<3200x448xf32>
    %dot_general3A_129 = tpu.matmul %mul3A_124, %get3A_127, %dot_general3A_128 {dimension_numbers = #tpu.dot_dimension_numbers<[1], [0], [0], [1], [0, 0, 1, 1], [], []>, transpose_lhs_hint = false} : vector<3200x7xf32>, vector<7x448xf32>, vector<3200x448xf32> -> vector<3200x448xf32>
    %get3A_130 = arith.constant 0 : index
    %get3A_131 = arith.constant 0 : index
    %get3A_132 = vector.load %arg6[%get3A_130, %get3A_131] : memref<1x448xf32, #tpu.memory_space<vmem>>, vector<1x448xf32>
    %dot_general3A_133 = arith.constant dense<0.000000e+00> : vector<3200x448xf32>
    %dot_general3A_134 = tpu.matmul %convert_element_type3A_47, %get3A_132, %dot_general3A_133 {dimension_numbers = #tpu.dot_dimension_numbers<[1], [0], [0], [1], [0, 0, 1, 1], [], []>, transpose_lhs_hint = false} : vector<3200x1xf32>, vector<1x448xf32>, vector<3200x448xf32> -> vector<3200x448xf32>
    %mul3A_135 = arith.mulf %concatenate3A_109, %dot_general3A_129 : vector<3200x448xf32>
    %add3A_136 = arith.addf %mul3A_135, %dot_general3A_134 : vector<3200x448xf32>
    %swap3A = arith.constant 0 : index
    %swap3A_137 = arith.constant 0 : index
    %swap3A_138 = vector.load %arg9[%swap3A, %swap3A_137] : memref<3200x448xf32, #tpu.memory_space<vmem>>, vector<3200x448xf32>
    tpu.vector_store %arg9[%swap3A, %swap3A_137], %add3A_136 {strides = array<i32>} : memref<3200x448xf32, #tpu.memory_space<vmem>>, vector<3200x448xf32>,
    %iota3A_139 = tpu.iota {dimensions = array<i32: 1>} : vector<64x350xi32>
    %jit3A_140 = arith.constant 7 : i32
    %div3A = vector.broadcast %jit3A_140 : i32 to vector<64x350xi32>
    %div3A_141 = arith.divsi %iota3A_139, %div3A : vector<64x350xi32>
    %sign3A = arith.constant 0 : i32
    %sign3A_142 = vector.broadcast %sign3A : i32 to vector<64x350xi32>
    %sign3A_143 = arith.cmpi sgt, %iota3A_139, %sign3A_142 : vector<64x350xi32>
    %sign3A_144 = arith.extui %sign3A_143 : vector<64x350xi1> to vector<64x350xi32>
    %sign3A_145 = arith.constant 0 : i32
    %sign3A_146 = vector.broadcast %sign3A_145 : i32 to vector<64x350xi32>
    %sign3A_147 = arith.cmpi slt, %iota3A_139, %sign3A_146 : vector<64x350xi32>
    %sign3A_148 = arith.extui %sign3A_147 : vector<64x350xi1> to vector<64x350xi32>
    %sign3A_149 = arith.subi %sign3A_144, %sign3A_148 : vector<64x350xi32>
    %sign3A_150 = arith.constant 0 : i32
    %sign3A_151 = arith.cmpi sgt, %jit3A_140, %sign3A_150 : i32
    %sign3A_152 = arith.extui %sign3A_151 : i1 to i32
    %sign3A_153 = arith.constant 0 : i32
    %sign3A_154 = arith.cmpi slt, %jit3A_140, %sign3A_153 : i32
    %sign3A_155 = arith.extui %sign3A_154 : i1 to i32
    %sign3A_156 = arith.subi %sign3A_152, %sign3A_155 : i32
    %ne3A_157 = vector.broadcast %sign3A_156 : i32 to vector<64x350xi32>
    %ne3A_158 = arith.cmpi ne, %sign3A_149, %ne3A_157 : vector<64x350xi32>
    %rem3A_159 = vector.broadcast %jit3A_140 : i32 to vector<64x350xi32>
    %rem3A_160 = arith.remsi %iota3A_139, %rem3A_159 : vector<64x350xi32>
    %ne3A_161 = arith.constant 0 : i32
    %ne3A_162 = vector.broadcast %ne3A_161 : i32 to vector<64x350xi32>
    %ne3A_163 = arith.cmpi ne, %rem3A_160, %ne3A_162 : vector<64x350xi32>
    %and3A_164 = arith.andi %ne3A_158, %ne3A_163 : vector<64x350xi1>
    %sub3A = arith.constant 1 : i32
    %sub3A_165 = vector.broadcast %sub3A : i32 to vector<64x350xi32>
    %sub3A_166 = arith.subi %div3A_141, %sub3A_165 : vector<64x350xi32>
    %select_n3A_167 = arith.select %and3A_164, %sub3A_166, %div3A_141 : vector<64x350xi1>, vector<64x350xi32>
    %get3A_168 = arith.constant 0 : index
    %get3A_169 = arith.constant 0 : index
    %get3A_170 = vector.load %arg2[%get3A_168, %get3A_169] : memref<64x1xi32, #tpu.memory_space<vmem>>, vector<64x1xi32>
    %lt3A_171 = vector.broadcast %get3A_170 : vector<64x1xi32> to vector<64x350xi32>
    %lt3A_172 = arith.cmpi slt, %select_n3A_167, %lt3A_171 : vector<64x350xi32>
    %convert_element_type3A_173 = arith.extui %lt3A_172 : vector<64x350xi1> to vector<64x350xi32>
    %convert_element_type3A_174 = arith.sitofp %convert_element_type3A_173 : vector<64x350xi32> to vector<64x350xf32>
    %swap3A_175 = arith.constant 0 : index
    %swap3A_176 = arith.constant 0 : index
    %swap3A_177 = vector.load %arg10[%swap3A_175, %swap3A_176] : memref<64x350xf32, #tpu.memory_space<vmem>>, vector<64x350xf32>
    tpu.vector_store %arg10[%swap3A_175, %swap3A_176], %convert_element_type3A_174 {strides = array<i32>} : memref<64x350xf32, #tpu.memory_space<vmem>>, vector<64x350xf32>,
    return
  }
  func.func @transform_0(%arg0: i32) -> (i32, i32) {
    %c0_i32 = arith.constant 0 : i32
    %c0_i32_0 = arith.constant 0 : i32
    return %arg0, %c0_i32 : i32, i32
  }
  func.func @transform_1(%arg0: i32) -> (i32, i32) {
    %c0_i32 = arith.constant 0 : i32
    %c0_i32_0 = arith.constant 0 : i32
    return %arg0, %c0_i32 : i32, i32
  }
  func.func @transform_2(%arg0: i32) -> (i32, i32) {
    %c0_i32 = arith.constant 0 : i32
    %c0_i32_0 = arith.constant 0 : i32
    %c0_i32_1 = arith.constant 0 : i32
    return %c0_i32, %c0_i32_0 : i32, i32
  }
  func.func @transform_3(%arg0: i32) -> (i32, i32) {
    %c0_i32 = arith.constant 0 : i32
    %c0_i32_0 = arith.constant 0 : i32
    %c0_i32_1 = arith.constant 0 : i32
    return %c0_i32, %c0_i32_0 : i32, i32
  }
  func.func @transform_4(%arg0: i32) -> (i32, i32) {
    %c0_i32 = arith.constant 0 : i32
    %c0_i32_0 = arith.constant 0 : i32
    %c0_i32_1 = arith.constant 0 : i32
    return %c0_i32, %c0_i32_0 : i32, i32
  }
  func.func @transform_5(%arg0: i32) -> (i32, i32) {
    %c0_i32 = arith.constant 0 : i32
    %c0_i32_0 = arith.constant 0 : i32
    %c0_i32_1 = arith.constant 0 : i32
    return %c0_i32, %c0_i32_0 : i32, i32
  }
  func.func @transform_6(%arg0: i32) -> (i32, i32) {
    %c0_i32 = arith.constant 0 : i32
    %c0_i32_0 = arith.constant 0 : i32
    %c0_i32_1 = arith.constant 0 : i32
    return %c0_i32, %c0_i32_0 : i32, i32
  }
  func.func @transform_7(%arg0: i32) -> (i32, i32) {
    %c0_i32 = arith.constant 0 : i32
    %c0_i32_0 = arith.constant 0 : i32
    %c0_i32_1 = arith.constant 0 : i32
    return %c0_i32, %c0_i32_0 : i32, i32
  }
  func.func @transform_8(%arg0: i32) -> (i32, i32) {
    %c0_i32 = arith.constant 0 : i32
    %c0_i32_0 = arith.constant 0 : i32
    return %arg0, %c0_i32 : i32, i32
  }
  func.func @transform_9(%arg0: i32) -> (i32, i32) {
    %c0_i32 = arith.constant 0 : i32
    %c0_i32_0 = arith.constant 0 : i32
    return %arg0, %c0_i32 : i32, i32
  }
}

</mosaic_0001>

<sc_bundles>
// kernel: sparse-core-data-format-call.cloned.1.call-start
scs
called_computation_lowered:
.L_overlay_start_0:
0x0: {  	s2 =	sld [smem:$0x3FD9]  }
0x1: {  	s3 =	sld [smem:$0x3FFE];
	_ =	sdelay $0x1  }
0x2: {  	s1 =	srdreg.scid  }
0x3: {  	s0 =	sand.u32 $0x1, s1  }
0x4: {  	s15 =	sshll.u32 s0, $0xA;
	s2 =	sadd.s32 s3, s2  }
0x5: {  	s2 =	sadd.s32 s2, s15  }
0x6: {  	[smem:$0x3FB1] =	sst s2  }
0x7: {  	_ = 	snop  }
0x8: {  	s2 =	sld [smem:$0x3FD0];
	_ =	sdelay $0x2  }
0x9: {  	s16 =	simm.s32 $0xA;
	s4 =	simm.s32 $0x10  }
0xa: {  	[smem:s4], [sflag:s16] =	dma.local [hbm:s2], $0x1  }
0xb: {  	_ =	swait.eq [sflag:s16], $0x1  }
0xc: {  	[sflag:s16] =	ssyncset.done $0x0  }
0xd: {  	[sflag:s16] =	ssyncadd.s32 $0xFFFFFFFF  }
0xe: {  	s17 =	sld [smem:$0x10];
	(tm) =	ssettm $0x1  }
0xf: {  	s18 =	sld [smem:$0x3FFB];
	_ =	sdelay $0x3  }
0x10: {  	_ =	strace s18  }
0x11: {  	s3 =	sld [smem:$0x3FFC];
	_ =	sdelay $0x3  }
0x12: {  	_ =	strace s3  }
0x13: {  	s3 =	sld [smem:$0x3FFD];
	_ =	sdelay $0x3  }
0x14: {  	_ =	strace s3  }
0x15: {  	_ =	strace $0x8FFFFFFF  }
0x16: {  	s19 =	sld [smem:$0x3FDB];
	_ =	sdelay $0x1  }
0x17: {  	s20 =	simm.s32 $_scs_section_size  }
0x18: {  	s5 =	simm.s32 $_size__tile_overlayer_lowered;
	s6 =	simm.s32 $_tile_overlayer_lowered  }
0x19: {  	s23 =	simm.s32 $0x1BFF;
	s22 =	sshll.u32 s6, $0x1;
	s3 =	sadd.s32 s20, s19  }
0x1a: {  	s7 =	simm.s32 $0x0;
	s21 =	sshll.u32 s5, $0x1;
	s5 =	sadd.s32 s22, s3  }
0x1b: {  	[timem:s7], [sflag:s23] =	dma.local [hbm:s5], s21  }
0x1c: {  	_ =	swait.ge [sflag:s23], s21  }
0x1d: {  	s4 =	ssub.s32 $0x0, s21;
	[sflag:s23] =	ssyncset.done $0x0  }
0x1e: {  	[sflag:s23] =	ssyncadd.s32 s4;
	_ =	sdelay $0x1  }
0x1f: {  	s24 =	simm.s32 $0x1B8B  }
0x20: {  	_ =	swait.ge [sflag:s24], $0x1  }
0x21: {  	[sflag:s24] =	ssyncset.done $0x0  }
0x22: {  	s26 =	simm.s32 $0x1B8E;
	s25 =	sld [smem:$0x3FFE];
	[sflag:s24] =	ssyncadd.s32 $0xFFFFFFFF  }
0x23: {  	s27 =	simm.s32 $execute0_lowered;
	[smem:$0x3FD2] =	sst s26  }
0x24: {  	s5 =	sshll.u32 s27, $0x1;
	_ =	strace $0x80000046;
	[dreg:$0x1] =	wrdreg $0xFFFFFFFF  }
0x25: {  	s28 =	simm.s32 $_size_execute0_lowered;
	s3 =	sadd.s32 s3, s5;
	[dreg:$0x0] =	wrdreg $0x0  }
0x26: {  	s5 =	sshll.u32 s28, $0x1;
	[dreg:$0x2] =	wrdreg s3  }
0x27: {  	[dreg:$0x3] =	wrdreg s5  }
0x28: {  	[dreg:$0x4] =	wrdreg $0xC0  }
0x29: {  	_ =	task [dreg:s7], $0x5FFFF  }
0x2a: {  	[dreg:$0x1] =	wrdreg $0xFFFFFFFF  }
0x2b: {  	[dreg:$0x0] =	wrdreg $0x60  }
0x2c: {  	[dreg:$0x2] =	wrdreg s25  }
0x2d: {  	[dreg:$0x3] =	wrdreg s17  }
0x2e: {  	[dreg:$0x4] =	wrdreg $0x9  }
0x2f: {  	_ =	task.clear_ibuf [dreg:s7], $0x5FFFF;
	_ =	strace $0x90000046  }
0x30: {  	s29 =	simm.s32 $0x9;
	_ =	strace $0x80000048  }
0x31: {  	_ =	swait.ge [sflag:s29], $0x1  }
0x32: {  	[sflag:s29] =	ssyncadd.s32 $0xFFFFFFFF  }
0x33: {  	_ =	strace $0x90000048  }
0x34: {  	_ =	sfence  }
0x35: {  	s30 =	sld [smem:$0x0];
	_ =	sdelay $0x2  }
0x36: {  	s31 =	sshll.u32 s1, $0xD;
	s1 =	sshrl.u32 s1, $0x2  }
0x37: {  	s3 =	sand.u32 $0x4000, s31;
	s1 =	sadd.s32 s1, s30  }
0x38: {  	s0 =	sor.u32 s3, s0;
	s1 =	sshll.u32 s1, $0x11  }
0x39: {  	s0 =	sor.u32 s1, s0  }
0x3a: {  	s0 =	sadd.s32 $0x8F2B, s0  }
0x3b: {  	[sflag:s0] =	ssyncadd.remote.s32 $0x1  }
0x3c: {  	_ =	sfence.sel $0xFFFF  }
0x3d: {  	[dreg:$0x0] =	wrdreg $0xFFFFFFFF;
	(pc) =	sbr.abs _section_cstart, $3  }
0x3e: {  	[dreg:$0x1] =	wrdreg $0xFFFFFFFF  }
0x3f: {  	_ =	task.clear_ibuf [dreg:s7], $0x2FFFF;
	_ =	strace $0x9FFFFFFF  }
0x40: {  	(tm) =	ssettm $0x7FFFFFFF  }
0x41: {  	_ =	shalt  }
tec
execute0_lowered:
.L_overlay_start_1:
0x0: {  	(tag) =	ssettag $0x1  }
0x1: {  	s0 =	stileid.u32  }
0x2: {  	s7 =	rddreg [dreg:$0x0];
	s1 =	srdreg.scid  }
0x3: {  	s2 =	rddreg [dreg:$0x1];
	s31 =	simm.s32 $0x2;
	s13 =	simm.s32 $0x0  }
0x4: {  	s14 =	simm.s32 $0x0;
	s3 =	sshll.u32 s0, $0x7;
	s4 =	sshll.u32 s1, $0x4  }
0x5: {  	s12 =	simm.s32 $0x0;
	s3 =	sand.u32 $0x380, s3;
	s4 =	sand.u32 $0x10, s4  }
0x6: {  	s1 =	rddreg [dreg:$0x2];
	s5 =	ssub.s32 $0x400, s3;
	s4 =	sor.u32 s0, s4  }
0x7: {  	_ =	strace $0x80000047;
	s6 =	sand.u32 $0x380, s5;
	s4 =	sshrl.u32 s4, $0x3  }
0x8: {  	s8 =	sshrl.u32 s5, $0xA;
	p0 =	sne.s32 s6, $0x0;
	s6 =	simm.s32 $0x1  }
.Ltmp0:
0x9: {  	s9 =	ssub.s32 $0x161, s4;
	s6 =	simm.s32 @!p0 $0x0;
	(pc) =	sbr.rel .LBB1_1-.Ltmp0, $4  }
0xa: {  	s5 =	simm.s32 $0x1;
	s30 =	sshrl.u32 s9, $0x2;
	s6 =	sadd.s32 s6, s8  }
0xb: {  	s7 =	sadd.s32 $0x32F200, s7;
	[sflag:s5] =	ssyncpa.u1 $0x0;
	s6 =	smul.u32 s30, s6  }
0xc: {  	s11 =	smov.u32 s3;
	s10 =	smov.u32 s4;
	[sflag:s31] =	ssyncpa.u1 $0x0  }
0xd: {  	p0 =	por $0x0, $0x0;
	s9 =	simm.s32 $0x2000;
	s8 =	sadd.s32 $0x1, s6  }
.LBB1_4:
0xe: {  	s17 =	sand.u32 $0x1F80, s14;
	s13 =	sshll.u32 s13, $0xD  }
0xf: {  	[tilespmem:s16+$0x810 ss:$0x81] =	vst.msk $0xffff, v2;
	s18 =	sshrl.u32 s14, $0x3;
	s31 =	sand.u32 $0x7, s14;
	s17 =	sadd.s32 s2, s17  }
0x10: {  	[tilespmem:s16+$0x1020 ss:$0x81] =	vst.msk $0xffff, v0;
	s18 =	sand.u32 $0xF, s18;
	s14 =	sshll.u32 s31, $0x12;
	s13 =	sadd.s32 s13, s17  }
0x11: {  	[tilespmem:s16+$0x0 ss:$0x81] =	vst.msk $0xffff, v1;
	s14 =	sor.u32 $0x400, s14;
	s13 =	sadd.s32 s18, s13  }
0x12: {  	[hbm4b:s13+s14] =	stream.strided.scatter [tilespmem:s15], [sflag:$0x2], $0x2000, s9, s14, $0x20;
	[tilespmem:$0x8080] =	vst v63  }
.LBB1_5:
0x13: {  	s15 =	sadd.s32 $0x4, s10  }
0x14: {  	s13 =	sadd.s32 $0x400, s11;
	s17 =	smov.u32 s11;
	p2 =	sgt.s32 s15, $0x15D  }
0x15: {  	s17 =	smov.u32 @p2 s13  }
0x16: {  	s15 =	smov.u32 @p2 s4;
	p2 =	sgt.s32 s17, $0x3FF  }
0x17: {  	s17 =	smov.u32 @p2 s3;
	p2 =	sne.s32 s12, s8  }
.Ltmp1:
0x18: {  	p1 =	slt.u32 s12, $0x2;
	(pc) =	sbr.rel @!p2 .LBB1_6-.Ltmp1, $4  }
0x19: {  	s16 =	simm.s32 @!p1 $0x2  }
0x1a: {  	s14 =	smov.u32 s11;
	p0 =	por !p0, !p0;
	_ =	swait.ge @!p1 [sflag:s16], $0x2000  }
0x1b: {  	s13 =	smov.u32 s10;
	[sflag:s16] =	ssyncset.done @!p1 $0x0;
	s10 =	smov.u32 s15  }
0x1c: {  	s12 =	sadd.s32 $0x1, s12;
	[sflag:s16] =	ssyncadd.s32 @!p1 $0xFFFFE000;
	s11 =	smov.u32 s17  }
.LBB1_1:
0x1d: {  	p1 =	sge.u32 s12, s6  }
0x1e: {  	s15 =	sand.u32 @!p1 $0x1FFFFFF, s10  }
0x1f: {  	s16 =	smulhi.u32 @!p1 $0xBA2E8C, s15;
	_ =	sdelay $0x1  }
0x20: {  	s16 =	smul.u32 @!p1 $0x160, s16  }
0x21: {  	s17 =	sxor.u32 @!p1 $0xFFFFFFFF, s12;
	s18 =	smul.u32 @!p1 $0x1600, s11  }
0x22: {  	s31 =	sadd.s32 $0xFFFFFFFF, s12;
	s17 =	sshll.u32 @!p1 s17, $0xD;
	s15 =	ssub.s32 @!p1 s15, s16  }
0x23: {  	s16 =	sand.u32 @!p1 $0x2000, s17;
	s17 =	sadd.s32 @!p1 s7, s18;
	s15 =	sshll.u32 @!p1 s15, $0x4  }
0x24: {  	s18 =	simm.s32 @!p1 $0xB000;
	s15 =	sadd.s32 @!p1 s15, s17;
	s17 =	simm.s32 @!p1 $0x40  }
0x25: {  	[tilespmem:s16], [sflag:$0x1] =	stream.strided.gather @!p1 [hbm4b:s15+s17], $0x2000, s18, s17, $0x38;
	[tilespmem:$0x8080] =	vst v63  }
0x26: {  	p1 =	sge.u32 s31, s6  }
.Ltmp2:
0x27: {  	_ = 	snop;
	(pc) =	sbr.rel @p1 .LBB1_5-.Ltmp2, $1  }
0x28: {  	_ =	sdelay $0x3  }
0x29: {  	s15 =	simm.s32 $0x1  }
0x2a: {  	_ =	swait.ge [sflag:s5], $0x2000;
	s15 =	simm.s32 @!p0 $0x0  }
0x2b: {  	[sflag:s5] =	ssyncset.done $0x0;
	s16 =	sshll.u32 s15, $0xD  }
0x2c: {  	[sflag:s5] =	ssyncadd.s32 $0xFFFFE000;
	s19 =	sor.u32 $0x20, s16  }
0x2d: {  	s15 =	smul.u32 $0x8100, s15;
	v3 =	vld [tilespmem:s19+$0x10]  }
0x2e: {  	s30 =	sand.u32 $0x1, s12;
	v2 =	vld [tilespmem:s19+$0xFFFFFFF0]  }
0x2f: {  	s16 =	smul.u32 $0x8100, s30;
	s15 =	sshrl.u32 s15, $0x2;
	v0 =	vld [tilespmem:s19+$0x0]  }
0x30: {  	v1 =	vld [tilespmem:s19+$0xFFFFFFE0];
	s17 =	sor.u32 $0x4000, s15  }
0x31: {  	s31 =	sshrl.u32 s16, $0x2;
	s16 =	sadd.s32 $0x0, s17  }
0x32: {  	s18 =	simm.s32 $0x4;
	s19 =	sadd.s32 $0x40, s19;
	s15 =	sor.u32 $0x4000, s31;
	[tilespmem:s16+$0x1830 ss:$0x81] =	vst.msk $0xffff, v3  }
.LBB1_3:
0x33: {  	v3 =	vld [tilespmem:s19+$0x10];
	p1 =	sne.s32 s18, $0x1FC;
	[tilespmem:s16+$0x810 ss:$0x81] =	vst.msk $0xffff, v2;
	s20 =	smov.u32 s18;
	s18 =	sadd.s32 $0x4, s18  }
.Ltmp3:
0x34: {  	v2 =	vld [tilespmem:s19+$0xFFFFFFF0];
	[tilespmem:s16+$0x1020 ss:$0x81] =	vst.msk $0xffff, v0;
	(pc) =	sbr.rel @p1 .LBB1_3-.Ltmp3, $4  }
0x35: {  	v0 =	vld [tilespmem:s19+$0x0];
	[tilespmem:s16+$0x0 ss:$0x81] =	vst.msk $0xffff, v1  }
0x36: {  	s16 =	sshra.s32 s20, $0x2;
	v1 =	vld [tilespmem:s19+$0xFFFFFFE0]  }
0x37: {  	s16 =	sadd.s32 s16, s17  }
0x38: {  	s19 =	sadd.s32 $0x40, s19;
	[tilespmem:s16+$0x1830 ss:$0x81] =	vst.msk $0xffff, v3  }
.Ltmp4:
0x39: {  	_ = 	snop;
	(pc) =	sbr.rel .LBB1_4-.Ltmp4, $1  }
0x3a: {  	_ =	sdelay $0x3  }
.LBB1_6:
0x3b: {  	_ =	sfence.sel $0x180000  }
0x3c: {  	s2 =	simm.s32 $0x1;
	[bflag:$0x0] =	sbarrier.arrive $0xFFFF  }
0x3d: {  	s31 =	simm.s32 $0x2;
	[sflag:s2] =	ssyncpa.u1 $0x1  }
0x3e: {  	[sflag:s31] =	ssyncpa.u1 $0x1  }
0x3f: {  	p0 =	sne.s32 s0, $0x0;
	_ =	strace $0x90000047  }
0x40: {  	s0 =	sadd.s32 @!p0 $0x100000, s1;
	[bflag:$0x2] =	sbarrier.arrive $0xFFFF  }
0x41: {  	[sflag:s0] =	ssyncadd.tile.s32 @!p0 $0x1;
	_ =	shalt  }
.Lfunc_end1:
_tile_overlayer_lowered:
.L_overlay_start_2:
0x42: {  	(tag) =	ssettag $0x2  }
0x43: {  	s0 =	rddreg [dreg:$0x0];
	s2 =	stileid.u32  }
0x44: {  	s1 =	rddreg [dreg:$0x1];
	p0 =	sne.s32 s2, $0x0  }
0x45: {  	s3 =	rddreg [dreg:$0x2];
	[bflag:$0x3] =	sbarrier.arrive $0xFFFF;
	s2 =	simm.s32 @!p0 $0x1C01  }
0x46: {  	[timem:s3], [sflag:s2] =	dma.local @!p0 [hbm:s0], s1  }
0x47: {  	s0 =	simm.s32 @!p0 $0x1  }
0x48: {  	_ =	swait.ge @!p0 [sflag:s0], s1  }
0x49: {  	s1 =	ssub.s32 @!p0 $0x0, s1;
	[sflag:s0] =	ssyncset.done @!p0 $0x0  }
0x4a: {  	[sflag:s0] =	ssyncadd.s32 @!p0 s1  }
0x4b: {  	[bflag:$0x3] =	sbarrier.arrive $0xFFFF  }
0x4c: {  	_ =	shalt  }

</sc_bundles>
